<compile_context>
chip_gen: v7x
topology: tpu7x:2x2x1
jax: 0.10.2.dev20260603
libtpu: 0.0.44.dev20260713+nightly
codegen_flags: <defaults>
</compile_context>

<pallas_src>
import functools

import jax
import jax.numpy as jnp
from jax import lax
from jax.experimental import pallas as pl
from jax.experimental.pallas import tpu as pltpu
from jax.experimental.pallas import tpu_sc as plsc

_TK = 2048


def _topk_body(K, TK, nsteps, q_ref, ka_ref, kb_ref, iota_ref, idx_out,
               vmax_ref, sa_ref, sb_ref):
    g = pl.program_id(0)

    @pl.when(g == 0)
    def _init():
        vmax_ref[:] = jnp.full_like(vmax_ref, -jnp.inf)
        idx_out[:] = jnp.zeros_like(idx_out)

    def _update(j, s, guard):
        tmax = jnp.max(s, axis=1, keepdims=True)
        loc = jnp.min(jnp.where(s == tmax, iota_ref[:], jnp.float32(2**30)),
                      axis=1, keepdims=True)
        better = jnp.logical_and(tmax > vmax_ref[:], guard)
        idx_out[:] = jnp.where(better, j * TK + loc.astype(jnp.int32),
                               idx_out[:])
        vmax_ref[:] = jnp.where(better, tmax, vmax_ref[:])

    ja = 2 * g - 1
    jb = 2 * g

    sa_ref[:] = jnp.dot(q_ref[:], ka_ref[:], preferred_element_type=jnp.float32)
    _update(ja, sb_ref[:], jnp.logical_and(ja >= 0, ja < nsteps - 1))
    sb_ref[:] = jnp.dot(q_ref[:], kb_ref[:], preferred_element_type=jnp.float32)
    _update(jb, sa_ref[:], jb < nsteps - 1)

    @pl.when(g == (nsteps + 1) // 2)
    def _tail_tile():
        tail = jnp.float32(K - (nsteps - 1) * TK)
        s = jnp.where(iota_ref[:] < tail, sa_ref[:], -jnp.inf)
        _update(nsteps - 1, s, True)


def _fused_top1(queries, keys):
    B, D = queries.shape
    K = keys.shape[0]
    keys_t = keys.T
    nsteps = (K + _TK - 1) // _TK
    ngrid = (nsteps + 1) // 2 + 1
    last = nsteps - 1
    iota = lax.iota(jnp.float32, _TK).reshape(1, _TK)
    idx2d = pl.pallas_call(
        functools.partial(_topk_body, K, _TK, nsteps),
        grid=(ngrid,),
        in_specs=[
            pl.BlockSpec((B, D), lambda g: (0, 0)),
            pl.BlockSpec((D, _TK), lambda g: (0, jnp.minimum(2 * g, last))),
            pl.BlockSpec((D, _TK),
                         lambda g: (0, jnp.minimum(2 * g + 1, last))),
            pl.BlockSpec((1, _TK), lambda g: (0, 0)),
        ],
        out_specs=pl.BlockSpec((B, 1), lambda g: (0, 0)),
        out_shape=jax.ShapeDtypeStruct((B, 1), jnp.int32),
        scratch_shapes=[pltpu.VMEM((B, 1), jnp.float32),
                        pltpu.VMEM((B, _TK), jnp.float32),
                        pltpu.VMEM((B, _TK), jnp.float32)],
    )(queries, keys_t, keys_t, iota)
    return idx2d


def _sc_gather(table128, idx):
    V4, D4 = table128.shape
    B = idx.shape[0]
    info = plsc.get_sparse_core_info()
    NC, NS, L = info.num_cores, info.num_subcores, info.num_lanes
    NW = NC * NS
    b_per_w = B // NW
    mesh = plsc.VectorSubcoreMesh(core_axis_name="c", subcore_axis_name="s")

    @functools.partial(
        pl.kernel,
        mesh=mesh,
        out_type=jax.ShapeDtypeStruct((B, D4), jnp.float32),
        scratch_types=[
            pltpu.VMEM((b_per_w,), jnp.int32),
            pltpu.VMEM((b_per_w,), jnp.int32),
            pltpu.VMEM((b_per_w, D4), jnp.float32),
            pltpu.SemaphoreType.DMA,
        ],
    )
    def gather_kernel(table_hbm, idx_hbm, out_hbm, idx_v, idx4_v, rows_v, sem):
        wid = lax.axis_index("s") * NC + lax.axis_index("c")
        base = wid * b_per_w
        pltpu.sync_copy(idx_hbm.at[pl.ds(base, b_per_w)], idx_v)
        for c in range(b_per_w // L):
            sl = pl.ds(c * L, L)
            idx4_v[sl] = lax.shift_right_logical(idx_v[sl], 2)
        pltpu.async_copy(table_hbm.at[idx4_v], rows_v, sem).wait()
        pltpu.sync_copy(rows_v, out_hbm.at[pl.ds(base, b_per_w)])

    return gather_kernel(table128, idx)


def _mlp_body(D, obs_ref, ctx4_ref, idx_ref, w1o_ref, w1c_ref, b1_ref, w2_ref,
              b2_ref, q_out):
    sub = jnp.bitwise_and(idx_ref[:], 3)
    ctx = jnp.zeros((ctx4_ref.shape[0], D), jnp.float32)
    for r in range(4):
        ctx = jnp.where(sub == r, ctx4_ref[:, r * D:(r + 1) * D], ctx)
    h = jnp.dot(obs_ref[:], w1o_ref[:], preferred_element_type=jnp.float32)
    h = h + jnp.dot(ctx, w1c_ref[:], preferred_element_type=jnp.float32)
    h = jnp.maximum(h + b1_ref[:], 0.0)
    q_out[:] = jnp.dot(h, w2_ref[:], preferred_element_type=jnp.float32) + b2_ref[:]


def _mlp(obs, ctx4, idx2d, W1, b1, W2, b2):
    B, OBS = obs.shape
    D = W1.shape[0] - OBS
    H = W1.shape[1]
    A = W2.shape[1]
    return pl.pallas_call(
        functools.partial(_mlp_body, D),
        out_shape=jax.ShapeDtypeStruct((B, A), jnp.float32),
    )(obs, ctx4, idx2d, W1[:OBS], W1[OBS:], b1.reshape(1, H), W2,
      b2.reshape(1, A))


def kernel(queries, keys, values, obs, W1, b1, W2, b2):
    idx2d = _fused_top1(queries, keys)
    ctx4 = _sc_gather(values.reshape(-1, 4 * values.shape[1]), idx2d.reshape(-1))
    return _mlp(obs, ctx4, idx2d, W1, b1, W2, b2)

# --- scband reference (transcript-rebuilt; emitter-appended) ---
"""Pipeline reference for scband-hippo-agent-38680475468171 (READ-ONLY COPY).

The authoritative reference and input builder live on the scoring server;
editing this copy changes nothing except your own understanding.
"""

import jax, jax.numpy as jnp
import numpy as np


def setup_inputs(seed: int = 0) -> dict:
    key = jax.random.key(seed)
    ks = jax.random.split(key, 8)
    B, K, D, OBS, H, A = 1024, 100000, 32, 4, 128, 3
    queries = jax.random.normal(ks[0], (B, D), dtype=jnp.float32)
    keys = jax.random.normal(ks[1], (K, D), dtype=jnp.float32)
    values = jax.random.normal(ks[2], (K, D), dtype=jnp.float32)
    obs = jax.random.normal(ks[3], (B, OBS), dtype=jnp.float32)
    W1 = jax.random.normal(ks[4], (OBS + D, H), dtype=jnp.float32) * (1.0 / np.sqrt(OBS + D))
    b1 = jnp.zeros((H,), dtype=jnp.float32)
    W2 = jax.random.normal(ks[5], (H, A), dtype=jnp.float32) * (1.0 / np.sqrt(H))
    b2 = jnp.zeros((A,), dtype=jnp.float32)
    return {"queries": queries, "keys": keys, "values": values, "obs": obs,
            "W1": W1, "b1": b1, "W2": W2, "b2": b2}


def reference(queries, keys, values, obs, W1, b1, W2, b2):
    # Episodic retrieval: score every stored memory key against the batch of
    # encoded queries (buffer.memory.retrieve with top_k=1), gather the
    # retrieved context embedding (encoder.encode_key of the retrieved episode),
    # then run the Q-network: Linear(obs_dim+embed_dim, 128) -> ReLU -> Linear(128, action_dim).
    scores = queries @ keys.T                      # [B, K] similarity scores
    top_scores, top_idx = jax.lax.top_k(scores, 1)  # top-1 retrieval per query
    ctx = jnp.take(values, top_idx[:, 0], axis=0)   # [B, embed_dim] retrieved context
    x = jnp.concatenate([obs, ctx], axis=-1)        # [B, obs_dim + embed_dim]
    h = jax.nn.relu(x @ W1 + b1)
    q = h @ W2 + b2                                 # [B, action_dim]
    return q

if __name__ == "__main__":
    import jax
    _d = setup_inputs()
    print(jax.jit(kernel)(*tuple(_d.values())))

</pallas_src>

<mosaic_0001>
#map = affine_map<(d0, d1) -> (0, 0)>
#map1 = affine_map<(d0, d1) -> (0)>
module attributes {stable_mosaic.version = 14 : i64} {
  func.func @gather_kernel(%arg0: i32, %arg1: i32, %arg2: memref<25000x128xf32, #tpu.memory_space<hbm>>, %arg3: memref<1024xi32, #tpu.memory_space<hbm>>, %arg4: memref<1024x128xf32, #tpu.memory_space<hbm>>, %arg5: memref<32xi32, #tpu.memory_space<vmem>>, %arg6: memref<32xi32, #tpu.memory_space<vmem>>, %arg7: memref<32x128xf32, #tpu.memory_space<vmem>>, %arg8: memref<!tpu.dma_semaphore, #tpu.memory_space<semaphore_mem>>) attributes {dimension_semantics = [#tpu.dimension_semantics<core_parallel>, #tpu.dimension_semantics<subcore_parallel>], iteration_bounds = array<i64: 2, 16>, scalar_prefetch = 0 : i64, scratch_operands = 4 : i64, tpu.core_type = #tpu.core_type<sc_vector_subcore>, window_params = [{transform_indices = #map}, {transform_indices = #map1}, {transform_indices = #map}]} {
    %mul3A = arith.constant 2 : i32
    %mul3A_0 = arith.muli %arg1, %mul3A : i32
    %add3A = arith.addi %mul3A_0, %arg0 : i32
    %mul3A_1 = arith.constant 32 : i32
    %mul3A_2 = arith.muli %add3A, %mul3A_1 : i32
    "tpu.region"() ({
      %run_scoped3A = tpu.sem_alloc : memref<!tpu.dma_semaphore, #tpu.memory_space<semaphore_mem>>
      %dma_start3A_24 = tpu.memref_slice %arg3[%mul3A_2] : memref<1024xi32, #tpu.memory_space<hbm>> -> memref<32xi32, #tpu.memory_space<hbm>>
      %dma_start3A_25 = tpu.memref_slice %arg3[%mul3A_2] : memref<1024xi32, #tpu.memory_space<hbm>> -> memref<32xi32, #tpu.memory_space<hbm>>
      tpu.enqueue_dma source(%dma_start3A_25 : memref<32xi32, #tpu.memory_space<hbm>>) target(%arg5 : memref<32xi32, #tpu.memory_space<vmem>>) target_semaphore(%run_scoped3A : memref<!tpu.dma_semaphore, #tpu.memory_space<semaphore_mem>>)
      %dma_wait3A_26 = tpu.memref_slice %arg3[%mul3A_2] : memref<1024xi32, #tpu.memory_space<hbm>> -> memref<32xi32, #tpu.memory_space<hbm>>
      %dma_wait3A_27 = tpu.memref_slice %arg3[%mul3A_2] : memref<1024xi32, #tpu.memory_space<hbm>> -> memref<32xi32, #tpu.memory_space<hbm>>
      tpu.wait_dma2 semaphore(%run_scoped3A : memref<!tpu.dma_semaphore, #tpu.memory_space<semaphore_mem>>) src(%dma_wait3A_27 : memref<32xi32, #tpu.memory_space<hbm>>) dst(%arg5 : memref<32xi32, #tpu.memory_space<vmem>>)
      tpu.yield
    }) : () -> ()
    %get3A = arith.constant 0 : index
    %get3A_3 = tpu.vector_load %arg5[%get3A] {strides = array<i32>} : memref<32xi32, #tpu.memory_space<vmem>>, vector<16xi32>,
    %get3A_4 = vector.shape_cast %get3A_3 : vector<16xi32> to vector<16xi32>
    %shift_right_logical3A = arith.constant 2 : i32
    %shift_right_logical3A_5 = vector.broadcast %shift_right_logical3A : i32 to vector<16xi32>
    %shift_right_logical3A_6 = arith.shrui %get3A_4, %shift_right_logical3A_5 : vector<16xi32>
    %swap3A = arith.constant 0 : index
    %swap3A_7 = tpu.vector_load %arg6[%swap3A] {strides = array<i32>} : memref<32xi32, #tpu.memory_space<vmem>>, vector<16xi32>,
    %swap3A_8 = vector.shape_cast %swap3A_7 : vector<16xi32> to vector<16xi32>
    %swap3A_9 = vector.shape_cast %shift_right_logical3A_6 : vector<16xi32> to vector<16xi32>
    tpu.vector_store %arg6[%swap3A], %swap3A_9 {strides = array<i32>} : memref<32xi32, #tpu.memory_space<vmem>>, vector<16xi32>,
    %get3A_10 = arith.constant 16 : index
    %get3A_11 = tpu.vector_load %arg5[%get3A_10] {strides = array<i32>} : memref<32xi32, #tpu.memory_space<vmem>>, vector<16xi32>,
    %get3A_12 = vector.shape_cast %get3A_11 : vector<16xi32> to vector<16xi32>
    %shift_right_logical3A_13 = arith.constant 2 : i32
    %shift_right_logical3A_14 = vector.broadcast %shift_right_logical3A_13 : i32 to vector<16xi32>
    %shift_right_logical3A_15 = arith.shrui %get3A_12, %shift_right_logical3A_14 : vector<16xi32>
    %swap3A_16 = arith.constant 16 : index
    %swap3A_17 = tpu.vector_load %arg6[%swap3A_16] {strides = array<i32>} : memref<32xi32, #tpu.memory_space<vmem>>, vector<16xi32>,
    %swap3A_18 = vector.shape_cast %swap3A_17 : vector<16xi32> to vector<16xi32>
    %swap3A_19 = vector.shape_cast %shift_right_logical3A_15 : vector<16xi32> to vector<16xi32>
    tpu.vector_store %arg6[%swap3A_16], %swap3A_19 {strides = array<i32>} : memref<32xi32, #tpu.memory_space<vmem>>, vector<16xi32>,
    %dma_start3A = arith.constant 0 : i32
    %dma_start3A_20 = arith.constant 0 : i32
    %dma_start3A_21 = tpu.memref_slice %arg2[%dma_start3A, %dma_start3A_20] : memref<25000x128xf32, #tpu.memory_space<hbm>> -> memref<25000x128xf32, #tpu.memory_space<hbm>>
    tpu.enqueue_indirect_dma source(%dma_start3A_21 : memref<25000x128xf32, #tpu.memory_space<hbm>>) target(%arg7 : memref<32x128xf32, #tpu.memory_space<vmem>>) offsets(%arg6 : memref<32xi32, #tpu.memory_space<vmem>>) semaphore(%arg8 : memref<!tpu.dma_semaphore, #tpu.memory_space<semaphore_mem>>)
    %dma_wait3A = arith.constant 0 : i32
    %dma_wait3A_22 = arith.constant 0 : i32
    %dma_wait3A_23 = tpu.memref_slice %arg2[%dma_wait3A, %dma_wait3A_22] : memref<25000x128xf32, #tpu.memory_space<hbm>> -> memref<25000x128xf32, #tpu.memory_space<hbm>>
    tpu.wait_indirect_dma semaphore(%arg8 : memref<!tpu.dma_semaphore, #tpu.memory_space<semaphore_mem>>) src(%dma_wait3A_23 : memref<25000x128xf32, #tpu.memory_space<hbm>>) dst(%arg7 : memref<32x128xf32, #tpu.memory_space<vmem>>)
    "tpu.region"() ({
      %run_scoped3A = tpu.sem_alloc : memref<!tpu.dma_semaphore, #tpu.memory_space<semaphore_mem>>
      %dma_start3A_24 = arith.constant 0 : i32
      %dma_start3A_25 = tpu.memref_slice %arg4[%mul3A_2, %dma_start3A_24] : memref<1024x128xf32, #tpu.memory_space<hbm>> -> memref<32x128xf32, #tpu.memory_space<hbm>>
      %dma_start3A_26 = arith.constant 0 : i32
      %dma_start3A_27 = tpu.memref_slice %arg4[%mul3A_2, %dma_start3A_26] : memref<1024x128xf32, #tpu.memory_space<hbm>> -> memref<32x128xf32, #tpu.memory_space<hbm>>
      tpu.enqueue_dma source(%arg7 : memref<32x128xf32, #tpu.memory_space<vmem>>) target(%dma_start3A_27 : memref<32x128xf32, #tpu.memory_space<hbm>>) target_semaphore(%run_scoped3A : memref<!tpu.dma_semaphore, #tpu.memory_space<semaphore_mem>>)
      %dma_wait3A_28 = arith.constant 0 : i32
      %dma_wait3A_29 = tpu.memref_slice %arg4[%mul3A_2, %dma_wait3A_28] : memref<1024x128xf32, #tpu.memory_space<hbm>> -> memref<32x128xf32, #tpu.memory_space<hbm>>
      %dma_wait3A_30 = arith.constant 0 : i32
      %dma_wait3A_31 = tpu.memref_slice %arg4[%mul3A_2, %dma_wait3A_30] : memref<1024x128xf32, #tpu.memory_space<hbm>> -> memref<32x128xf32, #tpu.memory_space<hbm>>
      tpu.wait_dma2 semaphore(%run_scoped3A : memref<!tpu.dma_semaphore, #tpu.memory_space<semaphore_mem>>) src(%arg7 : memref<32x128xf32, #tpu.memory_space<vmem>>) dst(%dma_wait3A_31 : memref<32x128xf32, #tpu.memory_space<hbm>>)
      tpu.yield
    }) : () -> ()
    return
  }
}

module attributes {stable_mosaic.version = 14 : i64} {
  func.func @_topk_body(%arg0: i32, %arg1: memref<1024x32xf32, #tpu.memory_space<vmem>>, %arg2: memref<32x2048xf32, #tpu.memory_space<vmem>>, %arg3: memref<32x2048xf32, #tpu.memory_space<vmem>>, %arg4: memref<1x2048xf32, #tpu.memory_space<vmem>>, %arg5: memref<1024x1xi32, #tpu.memory_space<vmem>>, %arg6: memref<1024x1xf32, #tpu.memory_space<vmem>>, %arg7: memref<1024x2048xf32, #tpu.memory_space<vmem>>, %arg8: memref<1024x2048xf32, #tpu.memory_space<vmem>>) attributes {dimension_semantics = [#tpu.dimension_semantics<arbitrary>], iteration_bounds = array<i64: 26>, scalar_prefetch = 0 : i64, scratch_operands = 3 : i64, tpu.core_type = #tpu.core_type<tc>, window_params = [{pipeline_mode = #tpu.pipeline_mode<synchronous>, transform_indices = @transform_0, window_bounds = array<i64: 1024, 32>}, {transform_indices = @transform_1, window_bounds = array<i64: 32, 2048>}, {transform_indices = @transform_2, window_bounds = array<i64: 32, 2048>}, {pipeline_mode = #tpu.pipeline_mode<synchronous>, transform_indices = @transform_3, window_bounds = array<i64: 1, 2048>}, {pipeline_mode = #tpu.pipeline_mode<synchronous>, transform_indices = @transform_4, window_bounds = array<i64: 1024, 1>}]} {
    %eq3A = arith.constant 0 : i32
    %eq3A_0 = arith.cmpi eq, %arg0, %eq3A : i32
    %convert_element_type3A = arith.extui %eq3A_0 : i1 to i32
    %cond3A = arith.constant 0 : i32
    %cond3A_1 = arith.cmpi ne, %convert_element_type3A, %cond3A : i32
    scf.if %cond3A_1 {
      %broadcast_in_dim3A_115 = arith.constant 0xFF800000 : f32
      %broadcast_in_dim3A_116 = vector.broadcast %broadcast_in_dim3A_115 : f32 to vector<1024x1xf32>
      %swap3A_117 = arith.constant 0 : index
      %swap3A_118 = arith.constant 0 : index
      %swap3A_119 = vector.load %arg6[%swap3A_117, %swap3A_118] : memref<1024x1xf32, #tpu.memory_space<vmem>>, vector<1024x1xf32>
      tpu.vector_store %arg6[%swap3A_117, %swap3A_118], %broadcast_in_dim3A_116 {strides = array<i32>} : memref<1024x1xf32, #tpu.memory_space<vmem>>, vector<1024x1xf32>,
      %broadcast_in_dim3A_120 = arith.constant 0 : i32
      %broadcast_in_dim3A_121 = vector.broadcast %broadcast_in_dim3A_120 : i32 to vector<1024x1xi32>
      %swap3A_122 = arith.constant 0 : index
      %swap3A_123 = arith.constant 0 : index
      %swap3A_124 = vector.load %arg5[%swap3A_122, %swap3A_123] : memref<1024x1xi32, #tpu.memory_space<vmem>>, vector<1024x1xi32>
      tpu.vector_store %arg5[%swap3A_122, %swap3A_123], %broadcast_in_dim3A_121 {strides = array<i32>} : memref<1024x1xi32, #tpu.memory_space<vmem>>, vector<1024x1xi32>,
    } else {
    }
    %mul3A = arith.constant 2 : i32
    %mul3A_2 = arith.muli %mul3A, %arg0 : i32
    %sub3A = arith.constant 1 : i32
    %sub3A_3 = arith.subi %mul3A_2, %sub3A : i32
    %mul3A_4 = arith.constant 2 : i32
    %mul3A_5 = arith.muli %mul3A_4, %arg0 : i32
    %get3A = arith.constant 0 : index
    %get3A_6 = arith.constant 0 : index
    %get3A_7 = vector.load %arg1[%get3A, %get3A_6] : memref<1024x32xf32, #tpu.memory_space<vmem>>, vector<1024x32xf32>
    %get3A_8 = arith.constant 0 : index
    %get3A_9 = arith.constant 0 : index
    %get3A_10 = vector.load %arg2[%get3A_8, %get3A_9] : memref<32x2048xf32, #tpu.memory_space<vmem>>, vector<32x2048xf32>
    %dot_general3A = arith.constant dense<0.000000e+00> : vector<1024x2048xf32>
    %dot_general3A_11 = tpu.matmul %get3A_7, %get3A_10, %dot_general3A {dimension_numbers = #tpu.dot_dimension_numbers<[1], [0], [0], [1], [0, 0, 1, 1], [], []>, transpose_lhs_hint = false} : vector<1024x32xf32>, vector<32x2048xf32>, vector<1024x2048xf32> -> vector<1024x2048xf32>
    %swap3A = arith.constant 0 : index
    %swap3A_12 = arith.constant 0 : index
    %swap3A_13 = vector.load %arg7[%swap3A, %swap3A_12] : memref<1024x2048xf32, #tpu.memory_space<vmem>>, vector<1024x2048xf32>
    tpu.vector_store %arg7[%swap3A, %swap3A_12], %dot_general3A_11 {strides = array<i32>} : memref<1024x2048xf32, #tpu.memory_space<vmem>>, vector<1024x2048xf32>,
    %get3A_14 = arith.constant 0 : index
    %get3A_15 = arith.constant 0 : index
    %get3A_16 = vector.load %arg8[%get3A_14, %get3A_15] : memref<1024x2048xf32, #tpu.memory_space<vmem>>, vector<1024x2048xf32>
    %ge3A = arith.constant 0 : i32
    %ge3A_17 = arith.cmpi sge, %sub3A_3, %ge3A : i32
    %lt3A = arith.constant 48 : i32
    %lt3A_18 = arith.cmpi slt, %sub3A_3, %lt3A : i32
    %and3A = arith.andi %ge3A_17, %lt3A_18 : i1
    %reduce_max3A = arith.constant dense<0xFF800000> : vector<1024xf32>
    %reduce_max3A_19 = vector.multi_reduction <maximumf>, %get3A_16, %reduce_max3A [1] : vector<1024x2048xf32> to vector<1024xf32>
    %broadcast_in_dim3A = vector.shape_cast %reduce_max3A_19 : vector<1024xf32> to vector<1024x1xf32>
    %eq3A_20 = vector.broadcast %broadcast_in_dim3A : vector<1024x1xf32> to vector<1024x2048xf32>
    %eq3A_21 = arith.cmpf oeq, %get3A_16, %eq3A_20 : vector<1024x2048xf32>
    %get3A_22 = arith.constant 0 : index
    %get3A_23 = arith.constant 0 : index
    %get3A_24 = vector.load %arg4[%get3A_22, %get3A_23] : memref<1x2048xf32, #tpu.memory_space<vmem>>, vector<1x2048xf32>
    %jit3A = arith.constant 1.07374182E+9 : f32
    %broadcast_in_dim3A_25 = vector.shape_cast %get3A_24 : vector<1x2048xf32> to vector<1x2048xf32>
    %broadcast_in_dim3A_26 = vector.broadcast %broadcast_in_dim3A_25 : vector<1x2048xf32> to vector<1024x2048xf32>
    %broadcast_in_dim3A_27 = vector.broadcast %jit3A : f32 to vector<1024x2048xf32>
    %select_n3A = arith.select %eq3A_21, %broadcast_in_dim3A_26, %broadcast_in_dim3A_27 : vector<1024x2048xi1>, vector<1024x2048xf32>
    %reduce_min3A = arith.constant dense<0x7F800000> : vector<1024xf32>
    %reduce_min3A_28 = vector.multi_reduction <minimumf>, %select_n3A, %reduce_min3A [1] : vector<1024x2048xf32> to vector<1024xf32>
    %broadcast_in_dim3A_29 = vector.shape_cast %reduce_min3A_28 : vector<1024xf32> to vector<1024x1xf32>
    %get3A_30 = arith.constant 0 : index
    %get3A_31 = arith.constant 0 : index
    %get3A_32 = vector.load %arg6[%get3A_30, %get3A_31] : memref<1024x1xf32, #tpu.memory_space<vmem>>, vector<1024x1xf32>
    %gt3A = arith.cmpf ogt, %broadcast_in_dim3A, %get3A_32 : vector<1024x1xf32>
    %and3A_33 = vector.broadcast %and3A : i1 to vector<1024x1xi1>
    %and3A_34 = arith.andi %gt3A, %and3A_33 : vector<1024x1xi1>
    %mul3A_35 = arith.constant 2048 : i32
    %mul3A_36 = arith.muli %sub3A_3, %mul3A_35 : i32
    %convert_element_type3A_37 = arith.fptosi %broadcast_in_dim3A_29 : vector<1024x1xf32> to vector<1024x1xi32>
    %add3A = vector.broadcast %mul3A_36 : i32 to vector<1024x1xi32>
    %add3A_38 = arith.addi %add3A, %convert_element_type3A_37 : vector<1024x1xi32>
    %get3A_39 = arith.constant 0 : index
    %get3A_40 = arith.constant 0 : index
    %get3A_41 = vector.load %arg5[%get3A_39, %get3A_40] : memref<1024x1xi32, #tpu.memory_space<vmem>>, vector<1024x1xi32>
    %select_n3A_42 = arith.select %and3A_34, %add3A_38, %get3A_41 : vector<1024x1xi1>, vector<1024x1xi32>
    %swap3A_43 = arith.constant 0 : index
    %swap3A_44 = arith.constant 0 : index
    %swap3A_45 = vector.load %arg5[%swap3A_43, %swap3A_44] : memref<1024x1xi32, #tpu.memory_space<vmem>>, vector<1024x1xi32>
    tpu.vector_store %arg5[%swap3A_43, %swap3A_44], %select_n3A_42 {strides = array<i32>} : memref<1024x1xi32, #tpu.memory_space<vmem>>, vector<1024x1xi32>,
    %get3A_46 = arith.constant 0 : index
    %get3A_47 = arith.constant 0 : index
    %get3A_48 = vector.load %arg6[%get3A_46, %get3A_47] : memref<1024x1xf32, #tpu.memory_space<vmem>>, vector<1024x1xf32>
    %select_n3A_49 = arith.select %and3A_34, %broadcast_in_dim3A, %get3A_48 : vector<1024x1xi1>, vector<1024x1xf32>
    %swap3A_50 = arith.constant 0 : index
    %swap3A_51 = arith.constant 0 : index
    %swap3A_52 = vector.load %arg6[%swap3A_50, %swap3A_51] : memref<1024x1xf32, #tpu.memory_space<vmem>>, vector<1024x1xf32>
    tpu.vector_store %arg6[%swap3A_50, %swap3A_51], %select_n3A_49 {strides = array<i32>} : memref<1024x1xf32, #tpu.memory_space<vmem>>, vector<1024x1xf32>,
    %get3A_53 = arith.constant 0 : index
    %get3A_54 = arith.constant 0 : index
    %get3A_55 = vector.load %arg1[%get3A_53, %get3A_54] : memref<1024x32xf32, #tpu.memory_space<vmem>>, vector<1024x32xf32>
    %get3A_56 = arith.constant 0 : index
    %get3A_57 = arith.constant 0 : index
    %get3A_58 = vector.load %arg3[%get3A_56, %get3A_57] : memref<32x2048xf32, #tpu.memory_space<vmem>>, vector<32x2048xf32>
    %dot_general3A_59 = arith.constant dense<0.000000e+00> : vector<1024x2048xf32>
    %dot_general3A_60 = tpu.matmul %get3A_55, %get3A_58, %dot_general3A_59 {dimension_numbers = #tpu.dot_dimension_numbers<[1], [0], [0], [1], [0, 0, 1, 1], [], []>, transpose_lhs_hint = false} : vector<1024x32xf32>, vector<32x2048xf32>, vector<1024x2048xf32> -> vector<1024x2048xf32>
    %swap3A_61 = arith.constant 0 : index
    %swap3A_62 = arith.constant 0 : index
    %swap3A_63 = vector.load %arg8[%swap3A_61, %swap3A_62] : memref<1024x2048xf32, #tpu.memory_space<vmem>>, vector<1024x2048xf32>
    tpu.vector_store %arg8[%swap3A_61, %swap3A_62], %dot_general3A_60 {strides = array<i32>} : memref<1024x2048xf32, #tpu.memory_space<vmem>>, vector<1024x2048xf32>,
    %get3A_64 = arith.constant 0 : index
    %get3A_65 = arith.constant 0 : index
    %get3A_66 = vector.load %arg7[%get3A_64, %get3A_65] : memref<1024x2048xf32, #tpu.memory_space<vmem>>, vector<1024x2048xf32>
    %lt3A_67 = arith.constant 48 : i32
    %lt3A_68 = arith.cmpi slt, %mul3A_5, %lt3A_67 : i32
    %reduce_max3A_69 = arith.constant dense<0xFF800000> : vector<1024xf32>
    %reduce_max3A_70 = vector.multi_reduction <maximumf>, %get3A_66, %reduce_max3A_69 [1] : vector<1024x2048xf32> to vector<1024xf32>
    %broadcast_in_dim3A_71 = vector.shape_cast %reduce_max3A_70 : vector<1024xf32> to vector<1024x1xf32>
    %eq3A_72 = vector.broadcast %broadcast_in_dim3A_71 : vector<1024x1xf32> to vector<1024x2048xf32>
    %eq3A_73 = arith.cmpf oeq, %get3A_66, %eq3A_72 : vector<1024x2048xf32>
    %get3A_74 = arith.constant 0 : index
    %get3A_75 = arith.constant 0 : index
    %get3A_76 = vector.load %arg4[%get3A_74, %get3A_75] : memref<1x2048xf32, #tpu.memory_space<vmem>>, vector<1x2048xf32>
    %jit3A_77 = arith.constant 1.07374182E+9 : f32
    %broadcast_in_dim3A_78 = vector.shape_cast %get3A_76 : vector<1x2048xf32> to vector<1x2048xf32>
    %broadcast_in_dim3A_79 = vector.broadcast %broadcast_in_dim3A_78 : vector<1x2048xf32> to vector<1024x2048xf32>
    %broadcast_in_dim3A_80 = vector.broadcast %jit3A_77 : f32 to vector<1024x2048xf32>
    %select_n3A_81 = arith.select %eq3A_73, %broadcast_in_dim3A_79, %broadcast_in_dim3A_80 : vector<1024x2048xi1>, vector<1024x2048xf32>
    %reduce_min3A_82 = arith.constant dense<0x7F800000> : vector<1024xf32>
    %reduce_min3A_83 = vector.multi_reduction <minimumf>, %select_n3A_81, %reduce_min3A_82 [1] : vector<1024x2048xf32> to vector<1024xf32>
    %broadcast_in_dim3A_84 = vector.shape_cast %reduce_min3A_83 : vector<1024xf32> to vector<1024x1xf32>
    %get3A_85 = arith.constant 0 : index
    %get3A_86 = arith.constant 0 : index
    %get3A_87 = vector.load %arg6[%get3A_85, %get3A_86] : memref<1024x1xf32, #tpu.memory_space<vmem>>, vector<1024x1xf32>
    %gt3A_88 = arith.cmpf ogt, %broadcast_in_dim3A_71, %get3A_87 : vector<1024x1xf32>
    %and3A_89 = vector.broadcast %lt3A_68 : i1 to vector<1024x1xi1>
    %and3A_90 = arith.andi %gt3A_88, %and3A_89 : vector<1024x1xi1>
    %mul3A_91 = arith.constant 2048 : i32
    %mul3A_92 = arith.muli %mul3A_5, %mul3A_91 : i32
    %convert_element_type3A_93 = arith.fptosi %broadcast_in_dim3A_84 : vector<1024x1xf32> to vector<1024x1xi32>
    %add3A_94 = vector.broadcast %mul3A_92 : i32 to vector<1024x1xi32>
    %add3A_95 = arith.addi %add3A_94, %convert_element_type3A_93 : vector<1024x1xi32>
    %get3A_96 = arith.constant 0 : index
    %get3A_97 = arith.constant 0 : index
    %get3A_98 = vector.load %arg5[%get3A_96, %get3A_97] : memref<1024x1xi32, #tpu.memory_space<vmem>>, vector<1024x1xi32>
    %select_n3A_99 = arith.select %and3A_90, %add3A_95, %get3A_98 : vector<1024x1xi1>, vector<1024x1xi32>
    %swap3A_100 = arith.constant 0 : index
    %swap3A_101 = arith.constant 0 : index
    %swap3A_102 = vector.load %arg5[%swap3A_100, %swap3A_101] : memref<1024x1xi32, #tpu.memory_space<vmem>>, vector<1024x1xi32>
    tpu.vector_store %arg5[%swap3A_100, %swap3A_101], %select_n3A_99 {strides = array<i32>} : memref<1024x1xi32, #tpu.memory_space<vmem>>, vector<1024x1xi32>,
    %get3A_103 = arith.constant 0 : index
    %get3A_104 = arith.constant 0 : index
    %get3A_105 = vector.load %arg6[%get3A_103, %get3A_104] : memref<1024x1xf32, #tpu.memory_space<vmem>>, vector<1024x1xf32>
    %select_n3A_106 = arith.select %and3A_90, %broadcast_in_dim3A_71, %get3A_105 : vector<1024x1xi1>, vector<1024x1xf32>
    %swap3A_107 = arith.constant 0 : index
    %swap3A_108 = arith.constant 0 : index
    %swap3A_109 = vector.load %arg6[%swap3A_107, %swap3A_108] : memref<1024x1xf32, #tpu.memory_space<vmem>>, vector<1024x1xf32>
    tpu.vector_store %arg6[%swap3A_107, %swap3A_108], %select_n3A_106 {strides = array<i32>} : memref<1024x1xf32, #tpu.memory_space<vmem>>, vector<1024x1xf32>,
    %eq3A_110 = arith.constant 25 : i32
    %eq3A_111 = arith.cmpi eq, %arg0, %eq3A_110 : i32
    %convert_element_type3A_112 = arith.extui %eq3A_111 : i1 to i32
    %cond3A_113 = arith.constant 0 : i32
    %cond3A_114 = arith.cmpi ne, %convert_element_type3A_112, %cond3A_113 : i32
    scf.if %cond3A_114 {
      %get3A_115 = arith.constant 0 : index
      %get3A_116 = arith.constant 0 : index
      %get3A_117 = vector.load %arg4[%get3A_115, %get3A_116] : memref<1x2048xf32, #tpu.memory_space<vmem>>, vector<1x2048xf32>
      %lt3A_118 = arith.constant 1.696000e+03 : f32
      %lt3A_119 = vector.broadcast %lt3A_118 : f32 to vector<1x2048xf32>
      %lt3A_120 = arith.cmpf olt, %get3A_117, %lt3A_119 : vector<1x2048xf32>
      %get3A_121 = arith.constant 0 : index
      %get3A_122 = arith.constant 0 : index
      %get3A_123 = vector.load %arg7[%get3A_121, %get3A_122] : memref<1024x2048xf32, #tpu.memory_space<vmem>>, vector<1024x2048xf32>
      %jit3A_124 = arith.constant 0xFF800000 : f32
      %broadcast_in_dim3A_125 = vector.shape_cast %lt3A_120 : vector<1x2048xi1> to vector<1x2048xi1>
      %broadcast_in_dim3A_126 = vector.broadcast %broadcast_in_dim3A_125 : vector<1x2048xi1> to vector<1024x2048xi1>
      %broadcast_in_dim3A_127 = vector.broadcast %jit3A_124 : f32 to vector<1024x2048xf32>
      %select_n3A_128 = arith.select %broadcast_in_dim3A_126, %get3A_123, %broadcast_in_dim3A_127 : vector<1024x2048xi1>, vector<1024x2048xf32>
      %reduce_max3A_129 = arith.constant dense<0xFF800000> : vector<1024xf32>
      %reduce_max3A_130 = vector.multi_reduction <maximumf>, %select_n3A_128, %reduce_max3A_129 [1] : vector<1024x2048xf32> to vector<1024xf32>
      %broadcast_in_dim3A_131 = vector.shape_cast %reduce_max3A_130 : vector<1024xf32> to vector<1024x1xf32>
      %eq3A_132 = vector.broadcast %broadcast_in_dim3A_131 : vector<1024x1xf32> to vector<1024x2048xf32>
      %eq3A_133 = arith.cmpf oeq, %select_n3A_128, %eq3A_132 : vector<1024x2048xf32>
      %get3A_134 = arith.constant 0 : index
      %get3A_135 = arith.constant 0 : index
      %get3A_136 = vector.load %arg4[%get3A_134, %get3A_135] : memref<1x2048xf32, #tpu.memory_space<vmem>>, vector<1x2048xf32>
      %jit3A_137 = arith.constant 1.07374182E+9 : f32
      %broadcast_in_dim3A_138 = vector.shape_cast %get3A_136 : vector<1x2048xf32> to vector<1x2048xf32>
      %broadcast_in_dim3A_139 = vector.broadcast %broadcast_in_dim3A_138 : vector<1x2048xf32> to vector<1024x2048xf32>
      %broadcast_in_dim3A_140 = vector.broadcast %jit3A_137 : f32 to vector<1024x2048xf32>
      %select_n3A_141 = arith.select %eq3A_133, %broadcast_in_dim3A_139, %broadcast_in_dim3A_140 : vector<1024x2048xi1>, vector<1024x2048xf32>
      %reduce_min3A_142 = arith.constant dense<0x7F800000> : vector<1024xf32>
      %reduce_min3A_143 = vector.multi_reduction <minimumf>, %select_n3A_141, %reduce_min3A_142 [1] : vector<1024x2048xf32> to vector<1024xf32>
      %broadcast_in_dim3A_144 = vector.shape_cast %reduce_min3A_143 : vector<1024xf32> to vector<1024x1xf32>
      %get3A_145 = arith.constant 0 : index
      %get3A_146 = arith.constant 0 : index
      %get3A_147 = vector.load %arg6[%get3A_145, %get3A_146] : memref<1024x1xf32, #tpu.memory_space<vmem>>, vector<1024x1xf32>
      %gt3A_148 = arith.cmpf ogt, %broadcast_in_dim3A_131, %get3A_147 : vector<1024x1xf32>
      %and3A_149 = arith.constant true
      %and3A_150 = vector.broadcast %and3A_149 : i1 to vector<1024x1xi1>
      %and3A_151 = arith.andi %gt3A_148, %and3A_150 : vector<1024x1xi1>
      %convert_element_type3A_152 = arith.fptosi %broadcast_in_dim3A_144 : vector<1024x1xf32> to vector<1024x1xi32>
      %add3A_153 = arith.constant 98304 : i32
      %add3A_154 = vector.broadcast %add3A_153 : i32 to vector<1024x1xi32>
      %add3A_155 = arith.addi %add3A_154, %convert_element_type3A_152 : vector<1024x1xi32>
      %get3A_156 = arith.constant 0 : index
      %get3A_157 = arith.constant 0 : index
      %get3A_158 = vector.load %arg5[%get3A_156, %get3A_157] : memref<1024x1xi32, #tpu.memory_space<vmem>>, vector<1024x1xi32>
      %select_n3A_159 = arith.select %and3A_151, %add3A_155, %get3A_158 : vector<1024x1xi1>, vector<1024x1xi32>
      %swap3A_160 = arith.constant 0 : index
      %swap3A_161 = arith.constant 0 : index
      %swap3A_162 = vector.load %arg5[%swap3A_160, %swap3A_161] : memref<1024x1xi32, #tpu.memory_space<vmem>>, vector<1024x1xi32>
      tpu.vector_store %arg5[%swap3A_160, %swap3A_161], %select_n3A_159 {strides = array<i32>} : memref<1024x1xi32, #tpu.memory_space<vmem>>, vector<1024x1xi32>,
      %get3A_163 = arith.constant 0 : index
      %get3A_164 = arith.constant 0 : index
      %get3A_165 = vector.load %arg6[%get3A_163, %get3A_164] : memref<1024x1xf32, #tpu.memory_space<vmem>>, vector<1024x1xf32>
      %select_n3A_166 = arith.select %and3A_151, %broadcast_in_dim3A_131, %get3A_165 : vector<1024x1xi1>, vector<1024x1xf32>
      %swap3A_167 = arith.constant 0 : index
      %swap3A_168 = arith.constant 0 : index
      %swap3A_169 = vector.load %arg6[%swap3A_167, %swap3A_168] : memref<1024x1xf32, #tpu.memory_space<vmem>>, vector<1024x1xf32>
      tpu.vector_store %arg6[%swap3A_167, %swap3A_168], %select_n3A_166 {strides = array<i32>} : memref<1024x1xf32, #tpu.memory_space<vmem>>, vector<1024x1xf32>,
    } else {
    }
    return
  }
  func.func @transform_0(%arg0: i32) -> (i32, i32) {
    %c0_i32 = arith.constant 0 : i32
    %c0_i32_0 = arith.constant 0 : i32
    %c0_i32_1 = arith.constant 0 : i32
    return %c0_i32, %c0_i32_0 : i32, i32
  }
  func.func @transform_1(%arg0: i32) -> (i32, i32) {
    %mul3A = arith.constant 2 : i32
    %mul3A_0 = arith.muli %mul3A, %arg0 : i32
    %min3A = arith.constant 48 : i32
    %min3A_1 = arith.minsi %mul3A_0, %min3A : i32
    %c0_i32 = arith.constant 0 : i32
    %c0_i32_2 = arith.constant 0 : i32
    return %c0_i32, %min3A_1 : i32, i32
  }
  func.func @transform_2(%arg0: i32) -> (i32, i32) {
    %mul3A = arith.constant 2 : i32
    %mul3A_0 = arith.muli %mul3A, %arg0 : i32
    %add3A = arith.constant 1 : i32
    %add3A_1 = arith.addi %mul3A_0, %add3A : i32
    %min3A = arith.constant 48 : i32
    %min3A_2 = arith.minsi %add3A_1, %min3A : i32
    %c0_i32 = arith.constant 0 : i32
    %c0_i32_3 = arith.constant 0 : i32
    return %c0_i32, %min3A_2 : i32, i32
  }
  func.func @transform_3(%arg0: i32) -> (i32, i32) {
    %c0_i32 = arith.constant 0 : i32
    %c0_i32_0 = arith.constant 0 : i32
    %c0_i32_1 = arith.constant 0 : i32
    return %c0_i32, %c0_i32_0 : i32, i32
  }
  func.func @transform_4(%arg0: i32) -> (i32, i32) {
    %c0_i32 = arith.constant 0 : i32
    %c0_i32_0 = arith.constant 0 : i32
    %c0_i32_1 = arith.constant 0 : i32
    return %c0_i32, %c0_i32_0 : i32, i32
  }
}

module attributes {stable_mosaic.version = 14 : i64} {
  func.func @_mlp_body(%arg0: memref<1024x4xf32, #tpu.memory_space<vmem>>, %arg1: memref<1024x128xf32, #tpu.memory_space<vmem>>, %arg2: memref<1024x1xi32, #tpu.memory_space<vmem>>, %arg3: memref<4x128xf32, #tpu.memory_space<vmem>>, %arg4: memref<32x128xf32, #tpu.memory_space<vmem>>, %arg5: memref<1x128xf32, #tpu.memory_space<vmem>>, %arg6: memref<128x3xf32, #tpu.memory_space<vmem>>, %arg7: memref<1x3xf32, #tpu.memory_space<vmem>>, %arg8: memref<1024x3xf32, #tpu.memory_space<vmem>>) attributes {dimension_semantics = [], scalar_prefetch = 0 : i64, scratch_operands = 0 : i64, tpu.core_type = #tpu.core_type<tc>} {
    %get3A = arith.constant 0 : index
    %get3A_0 = arith.constant 0 : index
    %get3A_1 = vector.load %arg2[%get3A, %get3A_0] : memref<1024x1xi32, #tpu.memory_space<vmem>>, vector<1024x1xi32>
    %and3A = arith.constant 3 : i32
    %and3A_2 = vector.broadcast %and3A : i32 to vector<1024x1xi32>
    %and3A_3 = arith.andi %get3A_1, %and3A_2 : vector<1024x1xi32>
    %broadcast_in_dim3A = arith.constant 0.000000e+00 : f32
    %broadcast_in_dim3A_4 = vector.broadcast %broadcast_in_dim3A : f32 to vector<1024x32xf32>
    %eq3A = arith.constant 0 : i32
    %eq3A_5 = vector.broadcast %eq3A : i32 to vector<1024x1xi32>
    %eq3A_6 = arith.cmpi eq, %and3A_3, %eq3A_5 : vector<1024x1xi32>
    %get3A_7 = arith.constant 0 : index
    %get3A_8 = arith.constant 0 : index
    %get3A_9 = vector.load %arg1[%get3A_7, %get3A_8] : memref<1024x128xf32, #tpu.memory_space<vmem>>, vector<1024x32xf32>
    %broadcast_in_dim3A_10 = vector.shape_cast %eq3A_6 : vector<1024x1xi1> to vector<1024x1xi1>
    %broadcast_in_dim3A_11 = vector.broadcast %broadcast_in_dim3A_10 : vector<1024x1xi1> to vector<1024x32xi1>
    %select_n3A = arith.select %broadcast_in_dim3A_11, %get3A_9, %broadcast_in_dim3A_4 : vector<1024x32xi1>, vector<1024x32xf32>
    %eq3A_12 = arith.constant 1 : i32
    %eq3A_13 = vector.broadcast %eq3A_12 : i32 to vector<1024x1xi32>
    %eq3A_14 = arith.cmpi eq, %and3A_3, %eq3A_13 : vector<1024x1xi32>
    %get3A_15 = arith.constant 0 : index
    %get3A_16 = arith.constant 32 : index
    %get3A_17 = vector.load %arg1[%get3A_15, %get3A_16] : memref<1024x128xf32, #tpu.memory_space<vmem>>, vector<1024x32xf32>
    %broadcast_in_dim3A_18 = vector.shape_cast %eq3A_14 : vector<1024x1xi1> to vector<1024x1xi1>
    %broadcast_in_dim3A_19 = vector.broadcast %broadcast_in_dim3A_18 : vector<1024x1xi1> to vector<1024x32xi1>
    %select_n3A_20 = arith.select %broadcast_in_dim3A_19, %get3A_17, %select_n3A : vector<1024x32xi1>, vector<1024x32xf32>
    %eq3A_21 = arith.constant 2 : i32
    %eq3A_22 = vector.broadcast %eq3A_21 : i32 to vector<1024x1xi32>
    %eq3A_23 = arith.cmpi eq, %and3A_3, %eq3A_22 : vector<1024x1xi32>
    %get3A_24 = arith.constant 0 : index
    %get3A_25 = arith.constant 64 : index
    %get3A_26 = vector.load %arg1[%get3A_24, %get3A_25] : memref<1024x128xf32, #tpu.memory_space<vmem>>, vector<1024x32xf32>
    %broadcast_in_dim3A_27 = vector.shape_cast %eq3A_23 : vector<1024x1xi1> to vector<1024x1xi1>
    %broadcast_in_dim3A_28 = vector.broadcast %broadcast_in_dim3A_27 : vector<1024x1xi1> to vector<1024x32xi1>
    %select_n3A_29 = arith.select %broadcast_in_dim3A_28, %get3A_26, %select_n3A_20 : vector<1024x32xi1>, vector<1024x32xf32>
    %eq3A_30 = arith.constant 3 : i32
    %eq3A_31 = vector.broadcast %eq3A_30 : i32 to vector<1024x1xi32>
    %eq3A_32 = arith.cmpi eq, %and3A_3, %eq3A_31 : vector<1024x1xi32>
    %get3A_33 = arith.constant 0 : index
    %get3A_34 = arith.constant 96 : index
    %get3A_35 = vector.load %arg1[%get3A_33, %get3A_34] : memref<1024x128xf32, #tpu.memory_space<vmem>>, vector<1024x32xf32>
    %broadcast_in_dim3A_36 = vector.shape_cast %eq3A_32 : vector<1024x1xi1> to vector<1024x1xi1>
    %broadcast_in_dim3A_37 = vector.broadcast %broadcast_in_dim3A_36 : vector<1024x1xi1> to vector<1024x32xi1>
    %select_n3A_38 = arith.select %broadcast_in_dim3A_37, %get3A_35, %select_n3A_29 : vector<1024x32xi1>, vector<1024x32xf32>
    %get3A_39 = arith.constant 0 : index
    %get3A_40 = arith.constant 0 : index
    %get3A_41 = vector.load %arg0[%get3A_39, %get3A_40] : memref<1024x4xf32, #tpu.memory_space<vmem>>, vector<1024x4xf32>
    %get3A_42 = arith.constant 0 : index
    %get3A_43 = arith.constant 0 : index
    %get3A_44 = vector.load %arg3[%get3A_42, %get3A_43] : memref<4x128xf32, #tpu.memory_space<vmem>>, vector<4x128xf32>
    %dot_general3A = arith.constant dense<0.000000e+00> : vector<1024x128xf32>
    %dot_general3A_45 = tpu.matmul %get3A_41, %get3A_44, %dot_general3A {dimension_numbers = #tpu.dot_dimension_numbers<[1], [0], [0], [1], [0, 0, 1, 1], [], []>, transpose_lhs_hint = false} : vector<1024x4xf32>, vector<4x128xf32>, vector<1024x128xf32> -> vector<1024x128xf32>
    %get3A_46 = arith.constant 0 : index
    %get3A_47 = arith.constant 0 : index
    %get3A_48 = vector.load %arg4[%get3A_46, %get3A_47] : memref<32x128xf32, #tpu.memory_space<vmem>>, vector<32x128xf32>
    %dot_general3A_49 = arith.constant dense<0.000000e+00> : vector<1024x128xf32>
    %dot_general3A_50 = tpu.matmul %select_n3A_38, %get3A_48, %dot_general3A_49 {dimension_numbers = #tpu.dot_dimension_numbers<[1], [0], [0], [1], [0, 0, 1, 1], [], []>, transpose_lhs_hint = false} : vector<1024x32xf32>, vector<32x128xf32>, vector<1024x128xf32> -> vector<1024x128xf32>
    %add3A = arith.addf %dot_general3A_45, %dot_general3A_50 : vector<1024x128xf32>
    %get3A_51 = arith.constant 0 : index
    %get3A_52 = arith.constant 0 : index
    %get3A_53 = vector.load %arg5[%get3A_51, %get3A_52] : memref<1x128xf32, #tpu.memory_space<vmem>>, vector<1x128xf32>
    %add3A_54 = vector.broadcast %get3A_53 : vector<1x128xf32> to vector<1024x128xf32>
    %add3A_55 = arith.addf %add3A, %add3A_54 : vector<1024x128xf32>
    %max3A = arith.constant 0.000000e+00 : f32
    %max3A_56 = vector.broadcast %max3A : f32 to vector<1024x128xf32>
    %max3A_57 = arith.maximumf %add3A_55, %max3A_56 : vector<1024x128xf32>
    %get3A_58 = arith.constant 0 : index
    %get3A_59 = arith.constant 0 : index
    %get3A_60 = vector.load %arg6[%get3A_58, %get3A_59] : memref<128x3xf32, #tpu.memory_space<vmem>>, vector<128x3xf32>
    %dot_general3A_61 = arith.constant dense<0.000000e+00> : vector<1024x3xf32>
    %dot_general3A_62 = tpu.matmul %max3A_57, %get3A_60, %dot_general3A_61 {dimension_numbers = #tpu.dot_dimension_numbers<[1], [0], [0], [1], [0, 0, 1, 1], [], []>, transpose_lhs_hint = false} : vector<1024x128xf32>, vector<128x3xf32>, vector<1024x3xf32> -> vector<1024x3xf32>
    %get3A_63 = arith.constant 0 : index
    %get3A_64 = arith.constant 0 : index
    %get3A_65 = vector.load %arg7[%get3A_63, %get3A_64] : memref<1x3xf32, #tpu.memory_space<vmem>>, vector<1x3xf32>
    %add3A_66 = vector.broadcast %get3A_65 : vector<1x3xf32> to vector<1024x3xf32>
    %add3A_67 = arith.addf %dot_general3A_62, %add3A_66 : vector<1024x3xf32>
    %swap3A = arith.constant 0 : index
    %swap3A_68 = arith.constant 0 : index
    %swap3A_69 = vector.load %arg8[%swap3A, %swap3A_68] : memref<1024x3xf32, #tpu.memory_space<vmem>>, vector<1024x3xf32>
    tpu.vector_store %arg8[%swap3A, %swap3A_68], %add3A_67 {strides = array<i32>} : memref<1024x3xf32, #tpu.memory_space<vmem>>, vector<1024x3xf32>,
    return
  }
}

</mosaic_0001>

<sc_bundles>
// kernel: kernel.5.cloned.1.call-start
scs
__scs_entry_jumppad:
0x0: {  	(pc) =	sbr.rel $0x88, $3  }
0x1: {  	(tag) =	ssettag $0x0;
	lr =	simm.s32 $0x1  }
0x2: {  	[smem:$0x3F99] =	sst lr;
	_ =	strace $0xD0000000  }
0x3: {  	_ = 	snop  }
0x4: {  	_ = 	snop  }
0x5: {  	_ = 	snop  }
0x6: {  	_ = 	snop  }
0x7: {  	_ = 	snop  }
__scs_overlays_trampoline_lowered:
0x8: {  	[smem:$0x3FA8] =	sst s0  }
0x9: {  	[smem:$0x3FA9] =	sst s1  }
0xa: {  	[smem:$0x3FAA] =	sst s2  }
0xb: {  	[smem:$0x3FAB] =	sst s3  }
0xc: {  	[smem:$0x3FAC] =	sst s4  }
0xd: {  	[smem:$0x3FAD] =	sst s5  }
0xe: {  	[smem:$0x3FAE] =	sst s6  }
0xf: {  	[smem:$0x3FAF] =	sst s7  }
0x10: {  	[smem:$0x3FB0] =	sst s8  }
0x11: {  	[smem:$0x3FB1] =	sst s9;
	s0 =	simm.s32 @!p0 $0x0  }
0x12: {  	s1 =	sld [smem:$0x3F97];
	s0 =	simm.s32 @p0 $0x1  }
0x13: {  	[smem:$0x3FB2] =	sst s0;
	s0 =	simm.s32 @!p1 $0x0  }
0x14: {  	s2 =	sld [smem:$0x3F96];
	s0 =	simm.s32 @p1 $0x1  }
0x15: {  	[smem:$0x3FB3] =	sst s0;
	s0 =	simm.s32 @!p2 $0x0  }
0x16: {  	s3 =	sld [smem:$0x3FDB];
	s0 =	simm.s32 @p2 $0x1  }
0x17: {  	s4 =	simm.s32 $0x1BF5;
	[smem:$0x3FB5] =	sst s0  }
0x18: {  	s0 =	sld [smem:$0x3F98];
	_ =	swait.ge [sflag:s4], $0x0  }
0x19: {  	s7 =	sld [smem:$0x3F99]  }
0x1a: {  	s8 =	sadd.s32 $0xFFFFE003, lr  }
0x1b: {  	s9 =	sadd.s32 $0xFFFFFEF7, lr;
	s5 =	simm.s32 $0xFFFFFFFF;
	p2 =	slt.u32 s8, $0xFFFFF086  }
0x1c: {  	p1 =	slt.u32 s9, $0xF7A;
	s5 =	simm.s32 @!p2 $0x0  }
0x1d: {  	s5 =	simm.s32 @p1 $0x1;
	p0 =	seq.s32 s7, s2  }
0x1e: {  	s7 =	smul.u32 @!p0 $0xF7A, s2;
	p2 =	seq.s32 @!p0 s5, $0x0  }
0x1f: {  	s9 =	smul.u32 $0xF7A, s1;
	s8 =	simm.s32 @!p0 $0x1BF5;
	p2 =	por !p2, p0  }
0x20: {  	[sflag:s8] =	ssyncset.s32 @!p0 $0xFFFFF086;
	s6 =	sadd.s32 @!p0 s3, s7;
	s7 =	simm.s32 @!p0 $0x108  }
0x21: {  	s3 =	sadd.s32 s3, s9;
	s6 =	sadd.s32 @!p0 $0x88, s6;
	s7 =	simm.s32 @p2 $0x1082  }
0x22: {  	[simem:s7], [sflag:s8] =	dma.local @!p0 [hbm:s6], $0xF7A  }
0x23: {  	s9 =	sor.u32 $0xD0000000, s2;
	s6 =	simm.s32 $0x108;
	_ =	swait.ge @!p0 [sflag:s8], $0x0  }
0x24: {  	s3 =	sadd.s32 $0x88, s3;
	s6 =	simm.s32 @!p1 $0x1082;
	[sflag:s4] =	ssyncset.s32 $0xFFFFF086  }
0x25: {  	[simem:s6], [sflag:s4] =	dma.local [hbm:s3], $0xF7A  }
0x26: {  	[smem:$0x3F99] =	sst s1;
	(tag) =	ssettag s2;
	_ =	strace s9  }
0x27: {  	s1 =	sld [smem:$0x3FA9]  }
0x28: {  	s2 =	sld [smem:$0x3FAA]  }
0x29: {  	s4 =	sld [smem:$0x3FAC]  }
0x2a: {  	p0 =	seq.s32 s5, $0x0;
	s5 =	sld [smem:$0x3FAD]  }
0x2b: {  	s6 =	sld [smem:$0x3FAE]  }
0x2c: {  	s7 =	sld [smem:$0x3FAF]  }
0x2d: {  	s3 =	simm.s32 $0x108;
	s8 =	sld [smem:$0x3FB0]  }
0x2e: {  	s3 =	simm.s32 @!p0 $0x1082;
	s9 =	sld [smem:$0x3FB1]  }
0x2f: {  	lr =	sadd.s32 s0, s3;
	s0 =	sld [smem:$0x3FA8]  }
0x30: {  	s3 =	sld [smem:$0x3FAB]  }
0x31: {  	[smem:$0x3FB4] =	sst s10  }
0x32: {  	s10 =	sld [smem:$0x3FB2];
	_ =	sdelay $0x3  }
0x33: {  	p0 =	seq.s32 s10, $0x1;
	s10 =	sld [smem:$0x3FB4];
	_ =	sdelay $0x3  }
0x34: {  	[smem:$0x3FB4] =	sst s10  }
0x35: {  	s10 =	sld [smem:$0x3FB3];
	_ =	sdelay $0x3  }
0x36: {  	p1 =	seq.s32 s10, $0x1;
	s10 =	sld [smem:$0x3FB4];
	_ =	sdelay $0x3  }
0x37: {  	[smem:$0x3FB4] =	sst s10  }
0x38: {  	s10 =	sld [smem:$0x3FB5]  }
0x39: {  	_ = 	snop;
	(pc) =	sbr.ind lr, $3  }
0x3a: {  	_ = 	snop  }
0x3b: {  	_ = 	snop  }
0x3c: {  	p2 =	seq.s32 s10, $0x1;
	s10 =	sld [smem:$0x3FB4]  }
0x3d: {  	_ =	shalt  }
0x3e: {  	_ =	shalt  }
0x3f: {  	_ =	shalt  }
0x40: {  	_ =	shalt  }
0x41: {  	_ =	shalt  }
0x42: {  	_ =	shalt  }
0x43: {  	_ =	shalt  }
0x44: {  	_ =	shalt  }
0x45: {  	_ =	shalt  }
0x46: {  	_ =	shalt  }
0x47: {  	_ =	shalt  }
0x48: {  	_ =	shalt  }
0x49: {  	_ =	shalt  }
0x4a: {  	_ =	shalt  }
0x4b: {  	_ =	shalt  }
0x4c: {  	_ =	shalt  }
0x4d: {  	_ =	shalt  }
0x4e: {  	_ =	shalt  }
0x4f: {  	_ =	shalt  }
0x50: {  	_ =	shalt  }
0x51: {  	_ =	shalt  }
0x52: {  	_ =	shalt  }
0x53: {  	_ =	shalt  }
0x54: {  	_ =	shalt  }
0x55: {  	_ =	shalt  }
0x56: {  	_ =	shalt  }
0x57: {  	_ =	shalt  }
0x58: {  	_ =	shalt  }
0x59: {  	_ =	shalt  }
0x5a: {  	_ =	shalt  }
0x5b: {  	_ =	shalt  }
0x5c: {  	_ =	shalt  }
0x5d: {  	_ =	shalt  }
0x5e: {  	_ =	shalt  }
0x5f: {  	_ =	shalt  }
0x60: {  	_ =	shalt  }
0x61: {  	_ =	shalt  }
0x62: {  	_ =	shalt  }
0x63: {  	_ =	shalt  }
0x64: {  	_ =	shalt  }
0x65: {  	_ =	shalt  }
0x66: {  	_ =	shalt  }
0x67: {  	_ =	shalt  }
0x68: {  	_ =	shalt  }
0x69: {  	_ =	shalt  }
0x6a: {  	_ =	shalt  }
0x6b: {  	_ =	shalt  }
0x6c: {  	_ =	shalt  }
0x6d: {  	_ =	shalt  }
0x6e: {  	_ =	shalt  }
0x6f: {  	_ =	shalt  }
0x70: {  	_ =	shalt  }
0x71: {  	_ =	shalt  }
0x72: {  	_ =	shalt  }
0x73: {  	_ =	shalt  }
0x74: {  	_ =	shalt  }
0x75: {  	_ =	shalt  }
0x76: {  	_ =	shalt  }
0x77: {  	_ =	shalt  }
0x78: {  	_ =	shalt  }
0x79: {  	_ =	shalt  }
0x7a: {  	_ =	shalt  }
0x7b: {  	_ =	shalt  }
0x7c: {  	_ =	shalt  }
0x7d: {  	_ =	shalt  }
0x7e: {  	_ =	shalt  }
0x7f: {  	_ =	shalt  }
0x80: {  	_ =	shalt  }
0x81: {  	_ =	shalt  }
0x82: {  	_ =	shalt  }
0x83: {  	_ =	shalt  }
0x84: {  	_ =	shalt  }
0x85: {  	_ =	shalt  }
0x86: {  	_ =	shalt  }
0x87: {  	_ =	shalt  }
.Lfunc_end0:
.L_simem_size_0:
called_computation_lowered:
.L_overlay_start_0:
0x88: {  	s2 =	sld [smem:$0x3FD9]  }
0x89: {  	s3 =	sld [smem:$0x3FFE];
	_ =	sdelay $0x1  }
0x8a: {  	s1 =	srdreg.scid  }
0x8b: {  	s0 =	sand.u32 $0x1, s1  }
0x8c: {  	s17 =	sshll.u32 s0, $0xA;
	s2 =	sadd.s32 s3, s2  }
0x8d: {  	s2 =	sadd.s32 s2, s17  }
0x8e: {  	[smem:$0x3FC0] =	sst s2  }
0x8f: {  	_ = 	snop  }
0x90: {  	s2 =	sld [smem:$0x3FD0];
	(tm) =	ssettm $0x1  }
0x91: {  	s18 =	sld [smem:$0x3FFB];
	_ =	sdelay $0x3  }
0x92: {  	_ =	strace s18  }
0x93: {  	s3 =	sld [smem:$0x3FFC];
	_ =	sdelay $0x3  }
0x94: {  	_ =	strace s3  }
0x95: {  	s3 =	sld [smem:$0x3FFD];
	_ =	sdelay $0x3  }
0x96: {  	_ =	strace s3  }
0x97: {  	_ =	strace $0x8FFFFFFF  }
0x98: {  	s19 =	sld [smem:$0x3FDB];
	_ =	sdelay $0x1  }
0x99: {  	s4 =	simm.s32 $_scs_section_size  }
0x9a: {  	s5 =	simm.s32 $_size__tile_overlayer_lowered;
	s6 =	simm.s32 $_tile_overlayer_lowered  }
0x9b: {  	s22 =	simm.s32 $0x1BFF;
	s21 =	sshll.u32 s6, $0x1;
	s3 =	sadd.s32 s4, s19  }
0x9c: {  	s7 =	simm.s32 $0x0;
	s20 =	sshll.u32 s5, $0x1;
	s5 =	sadd.s32 s21, s3  }
0x9d: {  	[timem:s7], [sflag:s22] =	dma.local [hbm:s5], s20  }
0x9e: {  	_ =	swait.ge [sflag:s22], s20  }
0x9f: {  	s4 =	ssub.s32 $0x0, s20;
	[sflag:s22] =	ssyncset.done $0x0  }
0xa0: {  	[sflag:s22] =	ssyncadd.s32 s4;
	_ =	sdelay $0x1  }
0xa1: {  	s23 =	simm.s32 $0x1B8B  }
0xa2: {  	_ =	swait.ge [sflag:s23], $0x1  }
0xa3: {  	[sflag:s23] =	ssyncset.done $0x0  }
0xa4: {  	s25 =	simm.s32 $0x1B8E;
	s24 =	sld [smem:$0x3FFE];
	[sflag:s23] =	ssyncadd.s32 $0xFFFFFFFF  }
0xa5: {  	s26 =	simm.s32 $execute0_lowered;
	[smem:$0x3FD2] =	sst s25  }
0xa6: {  	s5 =	sshll.u32 s26, $0x1;
	_ =	strace $0x80000046;
	[dreg:$0x1] =	wrdreg $0xFFFFFFFF  }
0xa7: {  	s28 =	simm.s32 $_size_execute0_lowered;
	s3 =	sadd.s32 s3, s5;
	[dreg:$0x0] =	wrdreg $0x0  }
0xa8: {  	s5 =	sshll.u32 s28, $0x1;
	[dreg:$0x2] =	wrdreg s3  }
0xa9: {  	[dreg:$0x3] =	wrdreg s5  }
0xaa: {  	[dreg:$0x4] =	wrdreg $0xC0  }
0xab: {  	_ =	task [dreg:s7], $0x5FFFF  }
0xac: {  	[dreg:$0x1] =	wrdreg $0xFFFFFFFF  }
0xad: {  	[dreg:$0x0] =	wrdreg $0x60  }
0xae: {  	[dreg:$0x2] =	wrdreg s24  }
0xaf: {  	[dreg:$0x3] =	wrdreg s2  }
0xb0: {  	[dreg:$0x4] =	wrdreg $0x9  }
0xb1: {  	_ =	task.clear_ibuf [dreg:s7], $0x5FFFF;
	_ =	strace $0x90000046  }
0xb2: {  	s29 =	simm.s32 $0x9;
	_ =	strace $0x80000048  }
0xb3: {  	_ =	swait.ge [sflag:s29], $0x1  }
0xb4: {  	[sflag:s29] =	ssyncadd.s32 $0xFFFFFFFF  }
0xb5: {  	_ =	strace $0x90000048  }
0xb6: {  	_ =	sfence  }
0xb7: {  	s30 =	sld [smem:$0x0];
	_ =	sdelay $0x2  }
0xb8: {  	s31 =	sshll.u32 s1, $0xD;
	s1 =	sshrl.u32 s1, $0x2  }
0xb9: {  	s3 =	sand.u32 $0x4000, s31;
	s1 =	sadd.s32 s1, s30  }
0xba: {  	s0 =	sor.u32 s3, s0;
	s1 =	sshll.u32 s1, $0x11  }
0xbb: {  	s0 =	sor.u32 s1, s0  }
0xbc: {  	s0 =	sadd.s32 $0x8F2B, s0  }
0xbd: {  	[sflag:s0] =	ssyncadd.remote.s32 $0x1  }
0xbe: {  	_ =	sfence.sel $0xFFFF  }
0xbf: {  	[dreg:$0x0] =	wrdreg $0xFFFFFFFF;
	(pc) =	sbr.abs _section_cstart, $3  }
0xc0: {  	[dreg:$0x1] =	wrdreg $0xFFFFFFFF  }
0xc1: {  	_ =	task.clear_ibuf [dreg:s7], $0x2FFFF;
	_ =	strace $0x9FFFFFFF  }
0xc2: {  	(tm) =	ssettm $0x7FFFFFFF  }
0xc3: {  	_ =	shalt  }
tec
execute0_lowered:
.L_overlay_start_1:
0x0: {  	(tag) =	ssettag $0x1  }
0x1: {  	s1 =	srdreg.scid  }
0x2: {  	s10 =	rddreg [dreg:$0x0];
	s0 =	stileid.u32;
	s6 =	sand.u32 $0x1, s1  }
0x3: {  	s3 =	rddreg [dreg:$0x1];
	s4 =	sshll.u32 s0, $0x6;
	s5 =	sshll.u32 s6, $0x5  }
0x4: {  	s2 =	simm.s32 $0x0;
	s1 =	rddreg [dreg:$0x2];
	s11 =	sor.u32 s5, s4  }
0x5: {  	[smem:$0x7FF] =	sst s2;
	s4 =	sshrl.u32 s11, $0x3  }
0x6: {  	_ =	strace $0x80000047;
	s4 =	sadd.s32 s3, s4;
	s3 =	simm.s32 $0x2  }
0x7: {  	[tilespmem:s2], [sflag:$0x2] =	stream.linear.gather [hbm4b:s4+s2], $0x20, $0x38;
	[tilespmem:$0x1100] =	vst v63  }
0x8: {  	_ =	swait.ge [sflag:s3], $0x20  }
0x9: {  	[sflag:s3] =	ssyncset.done $0x0  }
0xa: {  	[sflag:s3] =	ssyncadd.s32 $0xFFFFFFE0  }
0xb: {  	v0 =	vld [tilespmem:$0x0]  }
0xc: {  	v1 =	vld [tilespmem:$0x10];
	_ =	sdelay $0x1  }
0xd: {  	s12 =	ssub.s32 $0x2, s6  }
0xe: {  	s7 =	simm.s32 $0x80;
	s13 =	sshrl.u32 s12, $0x1  }
0xf: {  	s8 =	simm.s32 $0x100;
	s11 =	sshll.u32 s11, $0x4;
	s31 =	ssub.s32 s12, s13;
	v0 =	vshrl.u32 v0, $0x2  }
0x10: {  	s5 =	sadd.s32 $0x188800, s10;
	s10 =	sadd.s32 s11, s10;
	s11 =	smax.u32 s31, $0x1;
	v63 =	vshrl.u32 v1, $0x2;
	[tilespmem:$0x80] =	vst v0  }
0x11: {  	s9 =	simm.s32 $0x1;
	s6 =	simm.s32 $0x20;
	p0 =	sne.s32 s11, $0x1;
	[tilespmem:$0x90] =	vst v63  }
0x12: {  	[tilespmem:s8], [sflag:$0x1] =	stream.indirect.gather [hbm4b:s5+s6], $0x80, s7, s6, $0xb8;
	[tilespmem:$0x1100] =	vst v63  }
.Ltmp0:
0x13: {  	_ =	swait.ge [sflag:s9], $0x1000;
	(pc) =	sbr.rel @!p0 .LBB2_2-.Ltmp0, $4  }
0x14: {  	[sflag:s9] =	ssyncset.done $0x0  }
0x15: {  	s10 =	sadd.s32 $0x1E00, s10;
	[sflag:s9] =	ssyncadd.s32 $0xFFFFF000  }
0x16: {  	[hbm4b:s10+s2] =	stream.linear.scatter [tilespmem:s8], [sflag:$0x2], $0x1000, $0x38;
	[tilespmem:$0x1100] =	vst v63  }
0x17: {  	s11 =	sadd.s32 $0xFFFFFFFF, s11;
	_ =	swait.ge [sflag:s3], $0x1000  }
.LBB2_1:
0x18: {  	p0 =	sne.s32 s11, $0x1;
	s11 =	sadd.s32 $0xFFFFFFFF, s11;
	[sflag:s3] =	ssyncset.done $0x0  }
0x19: {  	[sflag:s3] =	ssyncadd.s32 $0xFFFFF000  }
0x1a: {  	[tilespmem:s2], [sflag:$0x2] =	stream.linear.gather [hbm4b:s4+s2], $0x20, $0x38;
	[tilespmem:$0x1100] =	vst v63  }
0x1b: {  	_ =	swait.ge [sflag:s3], $0x20  }
0x1c: {  	[sflag:s3] =	ssyncset.done $0x0  }
0x1d: {  	[sflag:s3] =	ssyncadd.s32 $0xFFFFFFE0  }
0x1e: {  	v0 =	vld [tilespmem:$0x0]  }
0x1f: {  	v1 =	vld [tilespmem:$0x10];
	_ =	sdelay $0x3  }
0x20: {  	v0 =	vshrl.u32 v0, $0x2  }
0x21: {  	[tilespmem:$0x80] =	vst v0;
	v0 =	vshrl.u32 v1, $0x2  }
0x22: {  	[tilespmem:$0x90] =	vst v0  }
0x23: {  	[tilespmem:s8], [sflag:$0x1] =	stream.indirect.gather [hbm4b:s5+s6], $0x80, s7, s6, $0xb8;
	[tilespmem:$0x1100] =	vst v63  }
.Ltmp1:
0x24: {  	_ =	swait.ge [sflag:s9], $0x1000;
	(pc) =	sbr.rel @p0 .LBB2_1-.Ltmp1, $4  }
0x25: {  	[sflag:s9] =	ssyncset.done $0x0  }
0x26: {  	[sflag:s9] =	ssyncadd.s32 $0xFFFFF000  }
0x27: {  	[hbm4b:s10+s2] =	stream.linear.scatter [tilespmem:s8], [sflag:$0x2], $0x1000, $0x38;
	[tilespmem:$0x1100] =	vst v63  }
0x28: {  	_ =	swait.ge [sflag:s3], $0x1000  }
.LBB2_2:
0x29: {  	[sflag:s3] =	ssyncset.done $0x0  }
0x2a: {  	[sflag:s3] =	ssyncadd.s32 $0xFFFFF000  }
0x2b: {  	_ =	sfence.sel $0x180000  }
0x2c: {  	[bflag:$0x0] =	sbarrier.arrive $0xFFFF  }
0x2d: {  	p0 =	sne.s32 s0, $0x0;
	_ =	strace $0x90000047  }
0x2e: {  	s0 =	sadd.s32 @!p0 $0x100000, s1;
	[bflag:$0x2] =	sbarrier.arrive $0xFFFF  }
0x2f: {  	[sflag:s0] =	ssyncadd.tile.s32 @!p0 $0x1;
	_ =	shalt  }
.Lfunc_end2:
_tile_overlayer_lowered:
.L_overlay_start_2:
0x30: {  	(tag) =	ssettag $0x2  }
0x31: {  	s0 =	rddreg [dreg:$0x0];
	s2 =	stileid.u32  }
0x32: {  	s1 =	rddreg [dreg:$0x1];
	p0 =	sne.s32 s2, $0x0  }
0x33: {  	s3 =	rddreg [dreg:$0x2];
	[bflag:$0x3] =	sbarrier.arrive $0xFFFF;
	s2 =	simm.s32 @!p0 $0x1C02  }
0x34: {  	[timem:s3], [sflag:s2] =	dma.local @!p0 [hbm:s0], s1  }
0x35: {  	s0 =	simm.s32 @!p0 $0x2  }
0x36: {  	_ =	swait.ge @!p0 [sflag:s0], s1  }
0x37: {  	s1 =	ssub.s32 @!p0 $0x0, s1;
	[sflag:s0] =	ssyncset.done @!p0 $0x0  }
0x38: {  	[sflag:s0] =	ssyncadd.s32 @!p0 s1  }
0x39: {  	[bflag:$0x3] =	sbarrier.arrive $0xFFFF  }
0x3a: {  	_ =	shalt  }

</sc_bundles>
